<compile_context>
chip_gen: v7x
topology: tpu7x:2x2x1
jax: 0.10.2.dev20260603
libtpu: 0.0.44.dev20260713+nightly
codegen_flags: <defaults>
</compile_context>

<pallas_src>
import functools

import jax
import jax.numpy as jnp
from jax import lax
from jax.experimental import pallas as pl
from jax.experimental.pallas import tpu as pltpu
from jax.experimental.pallas import tpu_sc as plsc

NC = 2
NS = 16
NW = NC * NS

G = 128
GROUPS = 10
CHUNK = G * GROUPS


def _gather_kernel(hidden, n_pairs, idx_hbm, table_hbm, out_hbm,
                   idx0, idx1, rows0, rows1, gsem0, gsem1, wsem0, wsem1):
    wid = lax.axis_index("s") * NC + lax.axis_index("c")
    n_chunks = 2 * n_pairs
    row_base = wid * (n_chunks * CHUNK)

    bufs = ((idx0, rows0, gsem0, wsem0), (idx1, rows1, gsem1, wsem1))

    def issue(c, sub):
        idx_v, rows_v, gsem, _ = bufs[sub]
        pltpu.sync_copy(idx_hbm.at[pl.ds(row_base + c * CHUNK, CHUNK)],
                        idx_v)
        pltpu.async_copy(table_hbm.at[idx_v], rows_v, gsem)

    def drain(c, sub):
        idx_v, rows_v, gsem, wsem = bufs[sub]
        pltpu.make_async_copy(table_hbm.at[idx_v], rows_v, gsem).wait()
        dst = out_hbm.at[pl.ds(row_base + c * CHUNK, CHUNK)]
        pltpu.async_copy(rows_v, dst, wsem)
        pltpu.make_async_copy(rows_v, dst, wsem).wait()

    issue(0, 0)
    issue(1, 1)

    def body(k, _):
        drain(2 * k, 0)
        issue(2 * k + 2, 0)
        drain(2 * k + 1, 1)
        issue(2 * k + 3, 1)
        return ()

    lax.fori_loop(0, n_pairs - 1, body, (), unroll=False)

    drain(n_chunks - 2, 0)
    drain(n_chunks - 1, 1)


def kernel(input_ids, position_ids, word_embeddings):
    batch, seq = input_ids.shape
    vocab, hidden = word_embeddings.shape
    n = batch * seq
    assert n % (NW * 2 * CHUNK) == 0
    n_pairs = n // (NW * 2 * CHUNK)

    idx_flat = input_ids.T.reshape(n)

    mesh = plsc.VectorSubcoreMesh(core_axis_name="c", subcore_axis_name="s")
    gather = pl.kernel(
        functools.partial(_gather_kernel, hidden, n_pairs),
        out_type=jax.ShapeDtypeStruct((n, hidden), jnp.float32),
        mesh=mesh,
        scratch_types=[
            pltpu.VMEM((CHUNK,), jnp.int32),
            pltpu.VMEM((CHUNK,), jnp.int32),
            pltpu.VMEM((CHUNK, hidden), jnp.float32),
            pltpu.VMEM((CHUNK, hidden), jnp.float32),
            pltpu.SemaphoreType.DMA,
            pltpu.SemaphoreType.DMA,
            pltpu.SemaphoreType.DMA,
            pltpu.SemaphoreType.DMA,
        ],
        compiler_params=pltpu.CompilerParams(use_tc_tiling_on_sc=False),
    )
    out = gather(idx_flat, word_embeddings)
    return (out.reshape(seq, batch, hidden).transpose(1, 0, 2), position_ids)

# --- scband reference (transcript-rebuilt; emitter-appended) ---
"""Pipeline reference for scband-cramembeddings-89902255439943 (READ-ONLY COPY).

The authoritative reference and input builder live on the scoring server;
editing this copy changes nothing except your own understanding.
"""

import jax, jax.numpy as jnp
import numpy as np

VOCAB_SIZE = 1000000
HIDDEN_SIZE = 32
BATCH = 16384
SEQ_LEN = 50

def setup_inputs(seed: int = 0) -> dict:
    key = jax.random.key(seed)
    k1, k2, k3 = jax.random.split(key, 3)
    input_ids = jax.random.randint(k1, (BATCH, SEQ_LEN), 0, VOCAB_SIZE, dtype=jnp.int64 if jax.config.jax_enable_x64 else jnp.int32)
    position_ids = jax.random.randint(k2, (BATCH, SEQ_LEN), 0, SEQ_LEN, dtype=jnp.int64 if jax.config.jax_enable_x64 else jnp.int32)
    # Embedding table (learned parameter), default flax nn.Embed init ~ normal(stddev=1)
    word_embeddings = jax.random.normal(k3, (VOCAB_SIZE, HIDDEN_SIZE), dtype=jnp.float32)
    return {"input_ids": input_ids, "position_ids": position_ids, "word_embeddings": word_embeddings}

def reference(input_ids, position_ids, word_embeddings):
    # Faithful translation of CRAMEmbeddings.__call__
    inputs_embeds = jnp.take(word_embeddings, input_ids, axis=0)
    embeddings = inputs_embeds
    return (embeddings, position_ids)

if __name__ == "__main__":
    import jax
    _d = setup_inputs()
    print(jax.jit(kernel)(*tuple(_d.values())))

</pallas_src>

<mosaic_0001>
#map = affine_map<(d0, d1) -> (0)>
#map1 = affine_map<(d0, d1) -> (0, 0)>
module attributes {stable_mosaic.version = 14 : i64} {
  func.func @_gather_kernel(%arg0: i32, %arg1: i32, %arg2: memref<819200xi32, #tpu.memory_space<hbm>>, %arg3: memref<1000000x32xf32, #tpu.memory_space<hbm>>, %arg4: memref<819200x32xf32, #tpu.memory_space<hbm>>, %arg5: memref<1280xi32, #tpu.memory_space<vmem>>, %arg6: memref<1280xi32, #tpu.memory_space<vmem>>, %arg7: memref<1280x32xf32, #tpu.memory_space<vmem>>, %arg8: memref<1280x32xf32, #tpu.memory_space<vmem>>, %arg9: memref<!tpu.dma_semaphore, #tpu.memory_space<semaphore_mem>>, %arg10: memref<!tpu.dma_semaphore, #tpu.memory_space<semaphore_mem>>, %arg11: memref<!tpu.dma_semaphore, #tpu.memory_space<semaphore_mem>>, %arg12: memref<!tpu.dma_semaphore, #tpu.memory_space<semaphore_mem>>) attributes {dimension_semantics = [#tpu.dimension_semantics<core_parallel>, #tpu.dimension_semantics<subcore_parallel>], iteration_bounds = array<i64: 2, 16>, scalar_prefetch = 0 : i64, scratch_operands = 8 : i64, tpu.core_type = #tpu.core_type<sc_vector_subcore>, window_params = [{transform_indices = #map}, {transform_indices = #map1}, {transform_indices = #map1}]} {
    %mul3A = arith.constant 2 : i32
    %mul3A_0 = arith.muli %arg1, %mul3A : i32
    %add3A = arith.addi %mul3A_0, %arg0 : i32
    %mul3A_1 = arith.constant 25600 : i32
    %mul3A_2 = arith.muli %add3A, %mul3A_1 : i32
    %add3A_3 = arith.constant 0 : i32
    %add3A_4 = arith.addi %mul3A_2, %add3A_3 : i32
    "tpu.region"() ({
      %run_scoped3A = tpu.sem_alloc : memref<!tpu.dma_semaphore, #tpu.memory_space<semaphore_mem>>
      %dma_start3A_41 = tpu.memref_slice %arg2[%add3A_4] : memref<819200xi32, #tpu.memory_space<hbm>> -> memref<1280xi32, #tpu.memory_space<hbm>>
      %dma_start3A_42 = tpu.memref_slice %arg2[%add3A_4] : memref<819200xi32, #tpu.memory_space<hbm>> -> memref<1280xi32, #tpu.memory_space<hbm>>
      tpu.enqueue_dma source(%dma_start3A_42 : memref<1280xi32, #tpu.memory_space<hbm>>) target(%arg5 : memref<1280xi32, #tpu.memory_space<vmem>>) target_semaphore(%run_scoped3A : memref<!tpu.dma_semaphore, #tpu.memory_space<semaphore_mem>>)
      %dma_wait3A_43 = tpu.memref_slice %arg2[%add3A_4] : memref<819200xi32, #tpu.memory_space<hbm>> -> memref<1280xi32, #tpu.memory_space<hbm>>
      %dma_wait3A_44 = tpu.memref_slice %arg2[%add3A_4] : memref<819200xi32, #tpu.memory_space<hbm>> -> memref<1280xi32, #tpu.memory_space<hbm>>
      tpu.wait_dma2 semaphore(%run_scoped3A : memref<!tpu.dma_semaphore, #tpu.memory_space<semaphore_mem>>) src(%dma_wait3A_44 : memref<1280xi32, #tpu.memory_space<hbm>>) dst(%arg5 : memref<1280xi32, #tpu.memory_space<vmem>>)
      tpu.yield
    }) : () -> ()
    %dma_start3A = arith.constant 0 : i32
    %dma_start3A_5 = arith.constant 0 : i32
    %dma_start3A_6 = tpu.memref_slice %arg3[%dma_start3A, %dma_start3A_5] : memref<1000000x32xf32, #tpu.memory_space<hbm>> -> memref<1000000x32xf32, #tpu.memory_space<hbm>>
    tpu.enqueue_indirect_dma source(%dma_start3A_6 : memref<1000000x32xf32, #tpu.memory_space<hbm>>) target(%arg7 : memref<1280x32xf32, #tpu.memory_space<vmem>>) offsets(%arg5 : memref<1280xi32, #tpu.memory_space<vmem>>) semaphore(%arg9 : memref<!tpu.dma_semaphore, #tpu.memory_space<semaphore_mem>>)
    %add3A_7 = arith.constant 1280 : i32
    %add3A_8 = arith.addi %mul3A_2, %add3A_7 : i32
    "tpu.region"() ({
      %run_scoped3A = tpu.sem_alloc : memref<!tpu.dma_semaphore, #tpu.memory_space<semaphore_mem>>
      %dma_start3A_41 = tpu.memref_slice %arg2[%add3A_8] : memref<819200xi32, #tpu.memory_space<hbm>> -> memref<1280xi32, #tpu.memory_space<hbm>>
      %dma_start3A_42 = tpu.memref_slice %arg2[%add3A_8] : memref<819200xi32, #tpu.memory_space<hbm>> -> memref<1280xi32, #tpu.memory_space<hbm>>
      tpu.enqueue_dma source(%dma_start3A_42 : memref<1280xi32, #tpu.memory_space<hbm>>) target(%arg6 : memref<1280xi32, #tpu.memory_space<vmem>>) target_semaphore(%run_scoped3A : memref<!tpu.dma_semaphore, #tpu.memory_space<semaphore_mem>>)
      %dma_wait3A_43 = tpu.memref_slice %arg2[%add3A_8] : memref<819200xi32, #tpu.memory_space<hbm>> -> memref<1280xi32, #tpu.memory_space<hbm>>
      %dma_wait3A_44 = tpu.memref_slice %arg2[%add3A_8] : memref<819200xi32, #tpu.memory_space<hbm>> -> memref<1280xi32, #tpu.memory_space<hbm>>
      tpu.wait_dma2 semaphore(%run_scoped3A : memref<!tpu.dma_semaphore, #tpu.memory_space<semaphore_mem>>) src(%dma_wait3A_44 : memref<1280xi32, #tpu.memory_space<hbm>>) dst(%arg6 : memref<1280xi32, #tpu.memory_space<vmem>>)
      tpu.yield
    }) : () -> ()
    %dma_start3A_9 = arith.constant 0 : i32
    %dma_start3A_10 = arith.constant 0 : i32
    %dma_start3A_11 = tpu.memref_slice %arg3[%dma_start3A_9, %dma_start3A_10] : memref<1000000x32xf32, #tpu.memory_space<hbm>> -> memref<1000000x32xf32, #tpu.memory_space<hbm>>
    tpu.enqueue_indirect_dma source(%dma_start3A_11 : memref<1000000x32xf32, #tpu.memory_space<hbm>>) target(%arg8 : memref<1280x32xf32, #tpu.memory_space<vmem>>) offsets(%arg6 : memref<1280xi32, #tpu.memory_space<vmem>>) semaphore(%arg10 : memref<!tpu.dma_semaphore, #tpu.memory_space<semaphore_mem>>)
    %scan3A = arith.constant 0 : i32
    %scan3A_12 = arith.constant 9 : i32
    %scan3A_13 = arith.addi %scan3A, %scan3A_12 : i32
    %scan3A_14 = arith.constant 1 : i32
    scf.for %scan3A_41 = %scan3A to %scan3A_13 step %scan3A_14  : i32 {
      %mul3A_42 = arith.constant 2 : i32
      %mul3A_43 = arith.muli %mul3A_42, %scan3A_41 : i32
      %dma_wait3A_44 = arith.constant 0 : i32
      %dma_wait3A_45 = arith.constant 0 : i32
      %dma_wait3A_46 = tpu.memref_slice %arg3[%dma_wait3A_44, %dma_wait3A_45] : memref<1000000x32xf32, #tpu.memory_space<hbm>> -> memref<1000000x32xf32, #tpu.memory_space<hbm>>
      tpu.wait_indirect_dma semaphore(%arg9 : memref<!tpu.dma_semaphore, #tpu.memory_space<semaphore_mem>>) src(%dma_wait3A_46 : memref<1000000x32xf32, #tpu.memory_space<hbm>>) dst(%arg7 : memref<1280x32xf32, #tpu.memory_space<vmem>>)
      %mul3A_47 = arith.constant 1280 : i32
      %mul3A_48 = arith.muli %mul3A_43, %mul3A_47 : i32
      %add3A_49 = arith.addi %mul3A_2, %mul3A_48 : i32
      %dma_start3A_50 = arith.constant 0 : i32
      %dma_start3A_51 = tpu.memref_slice %arg4[%add3A_49, %dma_start3A_50] : memref<819200x32xf32, #tpu.memory_space<hbm>> -> memref<1280x32xf32, #tpu.memory_space<hbm>>
      %dma_start3A_52 = arith.constant 0 : i32
      %dma_start3A_53 = tpu.memref_slice %arg4[%add3A_49, %dma_start3A_52] : memref<819200x32xf32, #tpu.memory_space<hbm>> -> memref<1280x32xf32, #tpu.memory_space<hbm>>
      tpu.enqueue_dma source(%arg7 : memref<1280x32xf32, #tpu.memory_space<vmem>>) target(%dma_start3A_53 : memref<1280x32xf32, #tpu.memory_space<hbm>>) target_semaphore(%arg11 : memref<!tpu.dma_semaphore, #tpu.memory_space<semaphore_mem>>)
      %dma_wait3A_54 = arith.constant 0 : i32
      %dma_wait3A_55 = tpu.memref_slice %arg4[%add3A_49, %dma_wait3A_54] : memref<819200x32xf32, #tpu.memory_space<hbm>> -> memref<1280x32xf32, #tpu.memory_space<hbm>>
      %dma_wait3A_56 = arith.constant 0 : i32
      %dma_wait3A_57 = tpu.memref_slice %arg4[%add3A_49, %dma_wait3A_56] : memref<819200x32xf32, #tpu.memory_space<hbm>> -> memref<1280x32xf32, #tpu.memory_space<hbm>>
      tpu.wait_dma2 semaphore(%arg11 : memref<!tpu.dma_semaphore, #tpu.memory_space<semaphore_mem>>) src(%arg7 : memref<1280x32xf32, #tpu.memory_space<vmem>>) dst(%dma_wait3A_57 : memref<1280x32xf32, #tpu.memory_space<hbm>>)
      %mul3A_58 = arith.constant 2 : i32
      %mul3A_59 = arith.muli %mul3A_58, %scan3A_41 : i32
      %add3A_60 = arith.constant 2 : i32
      %add3A_61 = arith.addi %mul3A_59, %add3A_60 : i32
      %mul3A_62 = arith.constant 1280 : i32
      %mul3A_63 = arith.muli %add3A_61, %mul3A_62 : i32
      %add3A_64 = arith.addi %mul3A_2, %mul3A_63 : i32
      "tpu.region"() ({
        %run_scoped3A = tpu.sem_alloc : memref<!tpu.dma_semaphore, #tpu.memory_space<semaphore_mem>>
        %dma_start3A_96 = tpu.memref_slice %arg2[%add3A_64] : memref<819200xi32, #tpu.memory_space<hbm>> -> memref<1280xi32, #tpu.memory_space<hbm>>
        %dma_start3A_97 = tpu.memref_slice %arg2[%add3A_64] : memref<819200xi32, #tpu.memory_space<hbm>> -> memref<1280xi32, #tpu.memory_space<hbm>>
        tpu.enqueue_dma source(%dma_start3A_97 : memref<1280xi32, #tpu.memory_space<hbm>>) target(%arg5 : memref<1280xi32, #tpu.memory_space<vmem>>) target_semaphore(%run_scoped3A : memref<!tpu.dma_semaphore, #tpu.memory_space<semaphore_mem>>)
        %dma_wait3A_98 = tpu.memref_slice %arg2[%add3A_64] : memref<819200xi32, #tpu.memory_space<hbm>> -> memref<1280xi32, #tpu.memory_space<hbm>>
        %dma_wait3A_99 = tpu.memref_slice %arg2[%add3A_64] : memref<819200xi32, #tpu.memory_space<hbm>> -> memref<1280xi32, #tpu.memory_space<hbm>>
        tpu.wait_dma2 semaphore(%run_scoped3A : memref<!tpu.dma_semaphore, #tpu.memory_space<semaphore_mem>>) src(%dma_wait3A_99 : memref<1280xi32, #tpu.memory_space<hbm>>) dst(%arg5 : memref<1280xi32, #tpu.memory_space<vmem>>)
        tpu.yield
      }) : () -> ()
      %dma_start3A_65 = arith.constant 0 : i32
      %dma_start3A_66 = arith.constant 0 : i32
      %dma_start3A_67 = tpu.memref_slice %arg3[%dma_start3A_65, %dma_start3A_66] : memref<1000000x32xf32, #tpu.memory_space<hbm>> -> memref<1000000x32xf32, #tpu.memory_space<hbm>>
      tpu.enqueue_indirect_dma source(%dma_start3A_67 : memref<1000000x32xf32, #tpu.memory_space<hbm>>) target(%arg7 : memref<1280x32xf32, #tpu.memory_space<vmem>>) offsets(%arg5 : memref<1280xi32, #tpu.memory_space<vmem>>) semaphore(%arg9 : memref<!tpu.dma_semaphore, #tpu.memory_space<semaphore_mem>>)
      %mul3A_68 = arith.constant 2 : i32
      %mul3A_69 = arith.muli %mul3A_68, %scan3A_41 : i32
      %add3A_70 = arith.constant 1 : i32
      %add3A_71 = arith.addi %mul3A_69, %add3A_70 : i32
      %dma_wait3A_72 = arith.constant 0 : i32
      %dma_wait3A_73 = arith.constant 0 : i32
      %dma_wait3A_74 = tpu.memref_slice %arg3[%dma_wait3A_72, %dma_wait3A_73] : memref<1000000x32xf32, #tpu.memory_space<hbm>> -> memref<1000000x32xf32, #tpu.memory_space<hbm>>
      tpu.wait_indirect_dma semaphore(%arg10 : memref<!tpu.dma_semaphore, #tpu.memory_space<semaphore_mem>>) src(%dma_wait3A_74 : memref<1000000x32xf32, #tpu.memory_space<hbm>>) dst(%arg8 : memref<1280x32xf32, #tpu.memory_space<vmem>>)
      %mul3A_75 = arith.constant 1280 : i32
      %mul3A_76 = arith.muli %add3A_71, %mul3A_75 : i32
      %add3A_77 = arith.addi %mul3A_2, %mul3A_76 : i32
      %dma_start3A_78 = arith.constant 0 : i32
      %dma_start3A_79 = tpu.memref_slice %arg4[%add3A_77, %dma_start3A_78] : memref<819200x32xf32, #tpu.memory_space<hbm>> -> memref<1280x32xf32, #tpu.memory_space<hbm>>
      %dma_start3A_80 = arith.constant 0 : i32
      %dma_start3A_81 = tpu.memref_slice %arg4[%add3A_77, %dma_start3A_80] : memref<819200x32xf32, #tpu.memory_space<hbm>> -> memref<1280x32xf32, #tpu.memory_space<hbm>>
      tpu.enqueue_dma source(%arg8 : memref<1280x32xf32, #tpu.memory_space<vmem>>) target(%dma_start3A_81 : memref<1280x32xf32, #tpu.memory_space<hbm>>) target_semaphore(%arg12 : memref<!tpu.dma_semaphore, #tpu.memory_space<semaphore_mem>>)
      %dma_wait3A_82 = arith.constant 0 : i32
      %dma_wait3A_83 = tpu.memref_slice %arg4[%add3A_77, %dma_wait3A_82] : memref<819200x32xf32, #tpu.memory_space<hbm>> -> memref<1280x32xf32, #tpu.memory_space<hbm>>
      %dma_wait3A_84 = arith.constant 0 : i32
      %dma_wait3A_85 = tpu.memref_slice %arg4[%add3A_77, %dma_wait3A_84] : memref<819200x32xf32, #tpu.memory_space<hbm>> -> memref<1280x32xf32, #tpu.memory_space<hbm>>
      tpu.wait_dma2 semaphore(%arg12 : memref<!tpu.dma_semaphore, #tpu.memory_space<semaphore_mem>>) src(%arg8 : memref<1280x32xf32, #tpu.memory_space<vmem>>) dst(%dma_wait3A_85 : memref<1280x32xf32, #tpu.memory_space<hbm>>)
      %mul3A_86 = arith.constant 2 : i32
      %mul3A_87 = arith.muli %mul3A_86, %scan3A_41 : i32
      %add3A_88 = arith.constant 3 : i32
      %add3A_89 = arith.addi %mul3A_87, %add3A_88 : i32
      %mul3A_90 = arith.constant 1280 : i32
      %mul3A_91 = arith.muli %add3A_89, %mul3A_90 : i32
      %add3A_92 = arith.addi %mul3A_2, %mul3A_91 : i32
      "tpu.region"() ({
        %run_scoped3A = tpu.sem_alloc : memref<!tpu.dma_semaphore, #tpu.memory_space<semaphore_mem>>
        %dma_start3A_96 = tpu.memref_slice %arg2[%add3A_92] : memref<819200xi32, #tpu.memory_space<hbm>> -> memref<1280xi32, #tpu.memory_space<hbm>>
        %dma_start3A_97 = tpu.memref_slice %arg2[%add3A_92] : memref<819200xi32, #tpu.memory_space<hbm>> -> memref<1280xi32, #tpu.memory_space<hbm>>
        tpu.enqueue_dma source(%dma_start3A_97 : memref<1280xi32, #tpu.memory_space<hbm>>) target(%arg6 : memref<1280xi32, #tpu.memory_space<vmem>>) target_semaphore(%run_scoped3A : memref<!tpu.dma_semaphore, #tpu.memory_space<semaphore_mem>>)
        %dma_wait3A_98 = tpu.memref_slice %arg2[%add3A_92] : memref<819200xi32, #tpu.memory_space<hbm>> -> memref<1280xi32, #tpu.memory_space<hbm>>
        %dma_wait3A_99 = tpu.memref_slice %arg2[%add3A_92] : memref<819200xi32, #tpu.memory_space<hbm>> -> memref<1280xi32, #tpu.memory_space<hbm>>
        tpu.wait_dma2 semaphore(%run_scoped3A : memref<!tpu.dma_semaphore, #tpu.memory_space<semaphore_mem>>) src(%dma_wait3A_99 : memref<1280xi32, #tpu.memory_space<hbm>>) dst(%arg6 : memref<1280xi32, #tpu.memory_space<vmem>>)
        tpu.yield
      }) : () -> ()
      %dma_start3A_93 = arith.constant 0 : i32
      %dma_start3A_94 = arith.constant 0 : i32
      %dma_start3A_95 = tpu.memref_slice %arg3[%dma_start3A_93, %dma_start3A_94] : memref<1000000x32xf32, #tpu.memory_space<hbm>> -> memref<1000000x32xf32, #tpu.memory_space<hbm>>
      tpu.enqueue_indirect_dma source(%dma_start3A_95 : memref<1000000x32xf32, #tpu.memory_space<hbm>>) target(%arg8 : memref<1280x32xf32, #tpu.memory_space<vmem>>) offsets(%arg6 : memref<1280xi32, #tpu.memory_space<vmem>>) semaphore(%arg10 : memref<!tpu.dma_semaphore, #tpu.memory_space<semaphore_mem>>)
    }
    %scan3A_15 = arith.constant 9 : i32
    %dma_wait3A = arith.constant 0 : i32
    %dma_wait3A_16 = arith.constant 0 : i32
    %dma_wait3A_17 = tpu.memref_slice %arg3[%dma_wait3A, %dma_wait3A_16] : memref<1000000x32xf32, #tpu.memory_space<hbm>> -> memref<1000000x32xf32, #tpu.memory_space<hbm>>
    tpu.wait_indirect_dma semaphore(%arg9 : memref<!tpu.dma_semaphore, #tpu.memory_space<semaphore_mem>>) src(%dma_wait3A_17 : memref<1000000x32xf32, #tpu.memory_space<hbm>>) dst(%arg7 : memref<1280x32xf32, #tpu.memory_space<vmem>>)
    %add3A_18 = arith.constant 23040 : i32
    %add3A_19 = arith.addi %mul3A_2, %add3A_18 : i32
    %dma_start3A_20 = arith.constant 0 : i32
    %dma_start3A_21 = tpu.memref_slice %arg4[%add3A_19, %dma_start3A_20] : memref<819200x32xf32, #tpu.memory_space<hbm>> -> memref<1280x32xf32, #tpu.memory_space<hbm>>
    %dma_start3A_22 = arith.constant 0 : i32
    %dma_start3A_23 = tpu.memref_slice %arg4[%add3A_19, %dma_start3A_22] : memref<819200x32xf32, #tpu.memory_space<hbm>> -> memref<1280x32xf32, #tpu.memory_space<hbm>>
    tpu.enqueue_dma source(%arg7 : memref<1280x32xf32, #tpu.memory_space<vmem>>) target(%dma_start3A_23 : memref<1280x32xf32, #tpu.memory_space<hbm>>) target_semaphore(%arg11 : memref<!tpu.dma_semaphore, #tpu.memory_space<semaphore_mem>>)
    %dma_wait3A_24 = arith.constant 0 : i32
    %dma_wait3A_25 = tpu.memref_slice %arg4[%add3A_19, %dma_wait3A_24] : memref<819200x32xf32, #tpu.memory_space<hbm>> -> memref<1280x32xf32, #tpu.memory_space<hbm>>
    %dma_wait3A_26 = arith.constant 0 : i32
    %dma_wait3A_27 = tpu.memref_slice %arg4[%add3A_19, %dma_wait3A_26] : memref<819200x32xf32, #tpu.memory_space<hbm>> -> memref<1280x32xf32, #tpu.memory_space<hbm>>
    tpu.wait_dma2 semaphore(%arg11 : memref<!tpu.dma_semaphore, #tpu.memory_space<semaphore_mem>>) src(%arg7 : memref<1280x32xf32, #tpu.memory_space<vmem>>) dst(%dma_wait3A_27 : memref<1280x32xf32, #tpu.memory_space<hbm>>)
    %dma_wait3A_28 = arith.constant 0 : i32
    %dma_wait3A_29 = arith.constant 0 : i32
    %dma_wait3A_30 = tpu.memref_slice %arg3[%dma_wait3A_28, %dma_wait3A_29] : memref<1000000x32xf32, #tpu.memory_space<hbm>> -> memref<1000000x32xf32, #tpu.memory_space<hbm>>
    tpu.wait_indirect_dma semaphore(%arg10 : memref<!tpu.dma_semaphore, #tpu.memory_space<semaphore_mem>>) src(%dma_wait3A_30 : memref<1000000x32xf32, #tpu.memory_space<hbm>>) dst(%arg8 : memref<1280x32xf32, #tpu.memory_space<vmem>>)
    %add3A_31 = arith.constant 24320 : i32
    %add3A_32 = arith.addi %mul3A_2, %add3A_31 : i32
    %dma_start3A_33 = arith.constant 0 : i32
    %dma_start3A_34 = tpu.memref_slice %arg4[%add3A_32, %dma_start3A_33] : memref<819200x32xf32, #tpu.memory_space<hbm>> -> memref<1280x32xf32, #tpu.memory_space<hbm>>
    %dma_start3A_35 = arith.constant 0 : i32
    %dma_start3A_36 = tpu.memref_slice %arg4[%add3A_32, %dma_start3A_35] : memref<819200x32xf32, #tpu.memory_space<hbm>> -> memref<1280x32xf32, #tpu.memory_space<hbm>>
    tpu.enqueue_dma source(%arg8 : memref<1280x32xf32, #tpu.memory_space<vmem>>) target(%dma_start3A_36 : memref<1280x32xf32, #tpu.memory_space<hbm>>) target_semaphore(%arg12 : memref<!tpu.dma_semaphore, #tpu.memory_space<semaphore_mem>>)
    %dma_wait3A_37 = arith.constant 0 : i32
    %dma_wait3A_38 = tpu.memref_slice %arg4[%add3A_32, %dma_wait3A_37] : memref<819200x32xf32, #tpu.memory_space<hbm>> -> memref<1280x32xf32, #tpu.memory_space<hbm>>
    %dma_wait3A_39 = arith.constant 0 : i32
    %dma_wait3A_40 = tpu.memref_slice %arg4[%add3A_32, %dma_wait3A_39] : memref<819200x32xf32, #tpu.memory_space<hbm>> -> memref<1280x32xf32, #tpu.memory_space<hbm>>
    tpu.wait_dma2 semaphore(%arg12 : memref<!tpu.dma_semaphore, #tpu.memory_space<semaphore_mem>>) src(%arg8 : memref<1280x32xf32, #tpu.memory_space<vmem>>) dst(%dma_wait3A_40 : memref<1280x32xf32, #tpu.memory_space<hbm>>)
    return
  }
}

</mosaic_0001>

<sc_bundles>
// kernel: kernel.3.cloned.1.call-start
scs
__scs_entry_jumppad:
0x0: {  	(pc) =	sbr.rel $0x88, $3  }
0x1: {  	(tag) =	ssettag $0x0;
	lr =	simm.s32 $0x1  }
0x2: {  	[smem:$0x3F9E] =	sst lr;
	_ =	strace $0xD0000000  }
0x3: {  	_ = 	snop  }
0x4: {  	_ = 	snop  }
0x5: {  	_ = 	snop  }
0x6: {  	_ = 	snop  }
0x7: {  	_ = 	snop  }
__scs_overlays_trampoline_lowered:
0x8: {  	[smem:$0x3FAD] =	sst s0  }
0x9: {  	[smem:$0x3FAE] =	sst s1  }
0xa: {  	[smem:$0x3FAF] =	sst s2  }
0xb: {  	[smem:$0x3FB0] =	sst s3  }
0xc: {  	[smem:$0x3FB1] =	sst s4  }
0xd: {  	[smem:$0x3FB2] =	sst s5  }
0xe: {  	[smem:$0x3FB3] =	sst s6  }
0xf: {  	[smem:$0x3FB4] =	sst s7  }
0x10: {  	[smem:$0x3FB5] =	sst s8  }
0x11: {  	[smem:$0x3FB6] =	sst s9;
	s0 =	simm.s32 @!p0 $0x0  }
0x12: {  	s1 =	sld [smem:$0x3F9C];
	s0 =	simm.s32 @p0 $0x1  }
0x13: {  	[smem:$0x3FB7] =	sst s0;
	s0 =	simm.s32 @!p1 $0x0  }
0x14: {  	s2 =	sld [smem:$0x3F9B];
	s0 =	simm.s32 @p1 $0x1  }
0x15: {  	[smem:$0x3FB8] =	sst s0;
	s0 =	simm.s32 @!p2 $0x0  }
0x16: {  	s3 =	sld [smem:$0x3FDB];
	s0 =	simm.s32 @p2 $0x1  }
0x17: {  	s4 =	simm.s32 $0x1BF5;
	[smem:$0x3FBA] =	sst s0  }
0x18: {  	s0 =	sld [smem:$0x3F9D];
	_ =	swait.ge [sflag:s4], $0x0  }
0x19: {  	s7 =	sld [smem:$0x3F9E]  }
0x1a: {  	s8 =	sadd.s32 $0xFFFFE003, lr  }
0x1b: {  	s9 =	sadd.s32 $0xFFFFFEF7, lr;
	s5 =	simm.s32 $0xFFFFFFFF;
	p2 =	slt.u32 s8, $0xFFFFF086  }
0x1c: {  	p1 =	slt.u32 s9, $0xF7A;
	s5 =	simm.s32 @!p2 $0x0  }
0x1d: {  	s5 =	simm.s32 @p1 $0x1;
	p0 =	seq.s32 s7, s2  }
0x1e: {  	s7 =	smul.u32 @!p0 $0xF7A, s2;
	p2 =	seq.s32 @!p0 s5, $0x0  }
0x1f: {  	s9 =	smul.u32 $0xF7A, s1;
	s8 =	simm.s32 @!p0 $0x1BF5;
	p2 =	por !p2, p0  }
0x20: {  	[sflag:s8] =	ssyncset.s32 @!p0 $0xFFFFF086;
	s6 =	sadd.s32 @!p0 s3, s7;
	s7 =	simm.s32 @!p0 $0x108  }
0x21: {  	s3 =	sadd.s32 s3, s9;
	s6 =	sadd.s32 @!p0 $0x88, s6;
	s7 =	simm.s32 @p2 $0x1082  }
0x22: {  	[simem:s7], [sflag:s8] =	dma.local @!p0 [hbm:s6], $0xF7A  }
0x23: {  	s9 =	sor.u32 $0xD0000000, s2;
	s6 =	simm.s32 $0x108;
	_ =	swait.ge @!p0 [sflag:s8], $0x0  }
0x24: {  	s3 =	sadd.s32 $0x88, s3;
	s6 =	simm.s32 @!p1 $0x1082;
	[sflag:s4] =	ssyncset.s32 $0xFFFFF086  }
0x25: {  	[simem:s6], [sflag:s4] =	dma.local [hbm:s3], $0xF7A  }
0x26: {  	[smem:$0x3F9E] =	sst s1;
	(tag) =	ssettag s2;
	_ =	strace s9  }
0x27: {  	s1 =	sld [smem:$0x3FAE]  }
0x28: {  	s2 =	sld [smem:$0x3FAF]  }
0x29: {  	s4 =	sld [smem:$0x3FB1]  }
0x2a: {  	p0 =	seq.s32 s5, $0x0;
	s5 =	sld [smem:$0x3FB2]  }
0x2b: {  	s6 =	sld [smem:$0x3FB3]  }
0x2c: {  	s7 =	sld [smem:$0x3FB4]  }
0x2d: {  	s3 =	simm.s32 $0x108;
	s8 =	sld [smem:$0x3FB5]  }
0x2e: {  	s3 =	simm.s32 @!p0 $0x1082;
	s9 =	sld [smem:$0x3FB6]  }
0x2f: {  	lr =	sadd.s32 s0, s3;
	s0 =	sld [smem:$0x3FAD]  }
0x30: {  	s3 =	sld [smem:$0x3FB0]  }
0x31: {  	[smem:$0x3FB9] =	sst s10  }
0x32: {  	s10 =	sld [smem:$0x3FB7];
	_ =	sdelay $0x3  }
0x33: {  	p0 =	seq.s32 s10, $0x1;
	s10 =	sld [smem:$0x3FB9];
	_ =	sdelay $0x3  }
0x34: {  	[smem:$0x3FB9] =	sst s10  }
0x35: {  	s10 =	sld [smem:$0x3FB8];
	_ =	sdelay $0x3  }
0x36: {  	p1 =	seq.s32 s10, $0x1;
	s10 =	sld [smem:$0x3FB9];
	_ =	sdelay $0x3  }
0x37: {  	[smem:$0x3FB9] =	sst s10  }
0x38: {  	s10 =	sld [smem:$0x3FBA]  }
0x39: {  	_ = 	snop;
	(pc) =	sbr.ind lr, $3  }
0x3a: {  	_ = 	snop  }
0x3b: {  	_ = 	snop  }
0x3c: {  	p2 =	seq.s32 s10, $0x1;
	s10 =	sld [smem:$0x3FB9]  }
0x3d: {  	_ =	shalt  }
0x3e: {  	_ =	shalt  }
0x3f: {  	_ =	shalt  }
0x40: {  	_ =	shalt  }
0x41: {  	_ =	shalt  }
0x42: {  	_ =	shalt  }
0x43: {  	_ =	shalt  }
0x44: {  	_ =	shalt  }
0x45: {  	_ =	shalt  }
0x46: {  	_ =	shalt  }
0x47: {  	_ =	shalt  }
0x48: {  	_ =	shalt  }
0x49: {  	_ =	shalt  }
0x4a: {  	_ =	shalt  }
0x4b: {  	_ =	shalt  }
0x4c: {  	_ =	shalt  }
0x4d: {  	_ =	shalt  }
0x4e: {  	_ =	shalt  }
0x4f: {  	_ =	shalt  }
0x50: {  	_ =	shalt  }
0x51: {  	_ =	shalt  }
0x52: {  	_ =	shalt  }
0x53: {  	_ =	shalt  }
0x54: {  	_ =	shalt  }
0x55: {  	_ =	shalt  }
0x56: {  	_ =	shalt  }
0x57: {  	_ =	shalt  }
0x58: {  	_ =	shalt  }
0x59: {  	_ =	shalt  }
0x5a: {  	_ =	shalt  }
0x5b: {  	_ =	shalt  }
0x5c: {  	_ =	shalt  }
0x5d: {  	_ =	shalt  }
0x5e: {  	_ =	shalt  }
0x5f: {  	_ =	shalt  }
0x60: {  	_ =	shalt  }
0x61: {  	_ =	shalt  }
0x62: {  	_ =	shalt  }
0x63: {  	_ =	shalt  }
0x64: {  	_ =	shalt  }
0x65: {  	_ =	shalt  }
0x66: {  	_ =	shalt  }
0x67: {  	_ =	shalt  }
0x68: {  	_ =	shalt  }
0x69: {  	_ =	shalt  }
0x6a: {  	_ =	shalt  }
0x6b: {  	_ =	shalt  }
0x6c: {  	_ =	shalt  }
0x6d: {  	_ =	shalt  }
0x6e: {  	_ =	shalt  }
0x6f: {  	_ =	shalt  }
0x70: {  	_ =	shalt  }
0x71: {  	_ =	shalt  }
0x72: {  	_ =	shalt  }
0x73: {  	_ =	shalt  }
0x74: {  	_ =	shalt  }
0x75: {  	_ =	shalt  }
0x76: {  	_ =	shalt  }
0x77: {  	_ =	shalt  }
0x78: {  	_ =	shalt  }
0x79: {  	_ =	shalt  }
0x7a: {  	_ =	shalt  }
0x7b: {  	_ =	shalt  }
0x7c: {  	_ =	shalt  }
0x7d: {  	_ =	shalt  }
0x7e: {  	_ =	shalt  }
0x7f: {  	_ =	shalt  }
0x80: {  	_ =	shalt  }
0x81: {  	_ =	shalt  }
0x82: {  	_ =	shalt  }
0x83: {  	_ =	shalt  }
0x84: {  	_ =	shalt  }
0x85: {  	_ =	shalt  }
0x86: {  	_ =	shalt  }
0x87: {  	_ =	shalt  }
.Lfunc_end0:
.L_simem_size_0:
called_computation.1_lowered:
.L_overlay_start_0:
0x88: {  	s2 =	sld [smem:$0x3FD9]  }
0x89: {  	s3 =	sld [smem:$0x3FFE];
	_ =	sdelay $0x1  }
0x8a: {  	s1 =	srdreg.scid  }
0x8b: {  	s0 =	sand.u32 $0x1, s1  }
0x8c: {  	s14 =	sshll.u32 s0, $0xA;
	s2 =	sadd.s32 s3, s2  }
0x8d: {  	s2 =	sadd.s32 s2, s14  }
0x8e: {  	[smem:$0x3FC5] =	sst s2  }
0x8f: {  	_ = 	snop  }
0x90: {  	s2 =	sld [smem:$0x3FD0];
	_ =	sdelay $0x2  }
0x91: {  	s15 =	simm.s32 $0xA;
	s4 =	simm.s32 $0x10  }
0x92: {  	[smem:s4], [sflag:s15] =	dma.local [hbm:s2], $0x1  }
0x93: {  	_ =	swait.eq [sflag:s15], $0x1  }
0x94: {  	[sflag:s15] =	ssyncset.done $0x0  }
0x95: {  	s16 =	sld [smem:$0x10];
	[sflag:s15] =	ssyncadd.s32 $0xFFFFFFFF  }
0x96: {  	s17 =	sld [smem:$0x11];
	(tm) =	ssettm $0x1  }
0x97: {  	s18 =	sld [smem:$0x3FFB];
	_ =	sdelay $0x3  }
0x98: {  	_ =	strace s18  }
0x99: {  	s4 =	sld [smem:$0x3FFC];
	_ =	sdelay $0x3  }
0x9a: {  	_ =	strace s4  }
0x9b: {  	s4 =	sld [smem:$0x3FFD];
	_ =	sdelay $0x3  }
0x9c: {  	_ =	strace s4  }
0x9d: {  	_ =	strace $0x8FFFFFFF  }
0x9e: {  	s19 =	sld [smem:$0x3FDB];
	_ =	sdelay $0x1  }
0x9f: {  	s5 =	simm.s32 $_scs_section_size  }
0xa0: {  	s6 =	simm.s32 $_size__tile_overlayer_lowered;
	s7 =	simm.s32 $_tile_overlayer_lowered  }
0xa1: {  	s22 =	simm.s32 $0x1BFF;
	s21 =	sshll.u32 s7, $0x1;
	s4 =	sadd.s32 s5, s19  }
0xa2: {  	s8 =	simm.s32 $0x0;
	s20 =	sshll.u32 s6, $0x1;
	s6 =	sadd.s32 s21, s4  }
0xa3: {  	[timem:s8], [sflag:s22] =	dma.local [hbm:s6], s20  }
0xa4: {  	_ =	swait.ge [sflag:s22], s20  }
0xa5: {  	s5 =	ssub.s32 $0x0, s20;
	[sflag:s22] =	ssyncset.done $0x0  }
0xa6: {  	[sflag:s22] =	ssyncadd.s32 s5;
	_ =	sdelay $0x1  }
0xa7: {  	s23 =	simm.s32 $0x1B8B  }
0xa8: {  	_ =	swait.ge [sflag:s23], $0x1  }
0xa9: {  	[sflag:s23] =	ssyncset.done $0x0  }
0xaa: {  	s25 =	simm.s32 $0x1B8E;
	s24 =	sld [smem:$0x3FFE];
	[sflag:s23] =	ssyncadd.s32 $0xFFFFFFFF  }
0xab: {  	s26 =	simm.s32 $execute0_lowered;
	[smem:$0x3FD2] =	sst s25  }
0xac: {  	s6 =	sshll.u32 s26, $0x1;
	_ =	strace $0x80000046;
	[dreg:$0x1] =	wrdreg $0xFFFFFFFF  }
0xad: {  	s28 =	simm.s32 $_size_execute0_lowered;
	s4 =	sadd.s32 s4, s6;
	[dreg:$0x0] =	wrdreg $0x0  }
0xae: {  	s6 =	sshll.u32 s28, $0x1;
	[dreg:$0x2] =	wrdreg s4  }
0xaf: {  	[dreg:$0x3] =	wrdreg s6  }
0xb0: {  	[dreg:$0x4] =	wrdreg $0xC0  }
0xb1: {  	_ =	task [dreg:s8], $0x5FFFF  }
0xb2: {  	[dreg:$0x1] =	wrdreg $0xFFFFFFFF  }
0xb3: {  	[dreg:$0x0] =	wrdreg $0x60  }
0xb4: {  	[dreg:$0x2] =	wrdreg s17  }
0xb5: {  	[dreg:$0x3] =	wrdreg s24  }
0xb6: {  	[dreg:$0x4] =	wrdreg s16  }
0xb7: {  	[dreg:$0x5] =	wrdreg $0x9  }
0xb8: {  	_ =	task.clear_ibuf [dreg:s8], $0x6FFFF;
	_ =	strace $0x90000046  }
0xb9: {  	s29 =	simm.s32 $0x9;
	_ =	strace $0x80000048  }
0xba: {  	_ =	swait.ge [sflag:s29], $0x1  }
0xbb: {  	[sflag:s29] =	ssyncadd.s32 $0xFFFFFFFF  }
0xbc: {  	_ =	strace $0x90000048  }
0xbd: {  	_ =	sfence  }
0xbe: {  	s30 =	sld [smem:$0x0];
	_ =	sdelay $0x2  }
0xbf: {  	s31 =	sshll.u32 s1, $0xD;
	s1 =	sshrl.u32 s1, $0x2  }
0xc0: {  	s3 =	sand.u32 $0x4000, s31;
	s1 =	sadd.s32 s1, s30  }
0xc1: {  	s0 =	sor.u32 s3, s0;
	s1 =	sshll.u32 s1, $0x11  }
0xc2: {  	s0 =	sor.u32 s1, s0  }
0xc3: {  	s0 =	sadd.s32 $0x8F2B, s0  }
0xc4: {  	[sflag:s0] =	ssyncadd.remote.s32 $0x1  }
0xc5: {  	_ =	sfence.sel $0xFFFF  }
0xc6: {  	[dreg:$0x0] =	wrdreg $0xFFFFFFFF;
	(pc) =	sbr.abs _section_cstart, $3  }
0xc7: {  	[dreg:$0x1] =	wrdreg $0xFFFFFFFF  }
0xc8: {  	_ =	task.clear_ibuf [dreg:s8], $0x2FFFF;
	_ =	strace $0x9FFFFFFF  }
0xc9: {  	(tm) =	ssettm $0x7FFFFFFF  }
tec
execute0_lowered:
.L_overlay_start_1:
0x0: {  	(tag) =	ssettag $0x1  }
0x1: {  	s1 =	rddreg [dreg:$0x0]  }
0x2: {  	s4 =	rddreg [dreg:$0x1]  }
0x3: {  	s11 =	rddreg [dreg:$0x2]  }
0x4: {  	s0 =	rddreg [dreg:$0x3]  }
0x5: {  	s5 =	srdreg.scid;
	s2 =	stileid.u32;
	s3 =	simm.s32 $0x0  }
0x6: {  	s17 =	simm.s32 $0xAA00;
	s18 =	simm.s32 $0x1;
	s19 =	simm.s32 $0x3  }
0x7: {  	s20 =	simm.s32 $0x2;
	s21 =	simm.s32 $0x4;
	s12 =	smul.u32 $0xC800, s2  }
0x8: {  	s22 =	simm.s32 $0x0;
	s10 =	sand.u32 $0x1, s5;
	s14 =	smul.u32 $0x32000, s2  }
0x9: {  	s29 =	sshll.u32 s2, $0x1;
	[smem:$0x7FF] =	sst s3;
	s13 =	smul.u32 $0x6400, s10  }
0xa: {  	s4 =	sadd.s32 $0xF43000, s4;
	s5 =	sor.u32 s10, s29;
	s16 =	smul.u32 $0x19000, s10  }
0xb: {  	_ =	strace $0x80000047;
	s7 =	ssub.s32 $0x2, s10;
	s6 =	smul.u32 $0x6400, s5  }
0xc: {  	s8 =	smul.u32 $0xC8000, s5;
	s9 =	sshrl.u32 s7, $0x1;
	s14 =	sadd.s32 s14, s11  }
0xd: {  	s9 =	ssub.s32 s7, s9;
	s12 =	sadd.s32 s13, s12;
	s30 =	sshrl.u32 s6, $0x3  }
0xe: {  	s8 =	sshrl.u32 s8, $0x3;
	s9 =	smax.u32 s9, $0x1;
	s13 =	sadd.s32 $0xF00, s12  }
0xf: {  	s15 =	sshll.u32 s12, $0x2;
	s12 =	sadd.s32 $0xA00, s12;
	s5 =	sadd.s32 s1, s30  }
0x10: {  	s8 =	sadd.s32 s11, s8;
	s13 =	sshrl.u32 s13, $0x3;
	s31 =	sadd.s32 s11, s15  }
0x11: {  	s15 =	simm.s32 $0x500;
	s6 =	sadd.s32 $0xA0, s5;
	s7 =	sadd.s32 $0x16800, s8  }
0x12: {  	s8 =	sadd.s32 $0x17C00, s8;
	s10 =	sadd.s32 s13, s1;
	s11 =	sadd.s32 $0x1400, s31  }
0x13: {  	s13 =	sadd.s32 s16, s14;
	s14 =	simm.s32 $0x5;
	s16 =	simm.s32 $0xA00  }
.LBB2_1:
0x14: {  	[tilespmem:s3], [sflag:$0x5] =	stream.linear.gather [hbm4b:s5+s3], $0x500, $0x38;
	[tilespmem:$0x14A00] =	vst v63  }
0x15: {  	_ =	swait.ge [sflag:s14], $0x500  }
0x16: {  	[sflag:s14] =	ssyncset.done $0x0  }
0x17: {  	[sflag:s14] =	ssyncadd.s32 $0xFFFFFB00  }
0x18: {  	[tilespmem:s16], [sflag:$0x1] =	stream.indirect.gather [hbm4b:s4+s15], $0x20, s3, s15, $0xb8;
	[tilespmem:$0x14A00] =	vst v63  }
0x19: {  	_ = 	snop  }
0x1a: {  	[tilespmem:s15], [sflag:$0x5] =	stream.linear.gather [hbm4b:s6+s3], $0x500, $0x38;
	[tilespmem:$0x14A00] =	vst v63  }
0x1b: {  	_ =	swait.ge [sflag:s14], $0x500  }
0x1c: {  	[sflag:s14] =	ssyncset.done $0x0  }
0x1d: {  	[sflag:s14] =	ssyncadd.s32 $0xFFFFFB00  }
0x1e: {  	[tilespmem:s17], [sflag:$0x2] =	stream.indirect.gather [hbm4b:s4+s15], $0x20, s15, s15, $0xb8;
	[tilespmem:$0x14A00] =	vst v63  }
0x1f: {  	_ =	swait.ge [sflag:s18], $0xA000  }
0x20: {  	[sflag:s18] =	ssyncset.done $0x0  }
0x21: {  	s23 =	sadd.s32 $0x0, s13;
	[sflag:s18] =	ssyncadd.s32 $0xFFFF6000  }
0x22: {  	[hbm4b:s23+s3] =	stream.linear.scatter [tilespmem:s16], [sflag:$0x3], $0xA000, $0x38;
	[tilespmem:$0x14A00] =	vst v63  }
0x23: {  	_ =	swait.ge [sflag:s19], $0xA000  }
0x24: {  	s30 =	sshrl.u32 s12, $0x3;
	[sflag:s19] =	ssyncset.done $0x0  }
0x25: {  	s23 =	sadd.s32 s1, s30;
	[sflag:s19] =	ssyncadd.s32 $0xFFFF6000  }
0x26: {  	[tilespmem:s3], [sflag:$0x5] =	stream.linear.gather [hbm4b:s23+s3], $0x500, $0x38;
	[tilespmem:$0x14A00] =	vst v63  }
0x27: {  	_ =	swait.ge [sflag:s14], $0x500  }
0x28: {  	[sflag:s14] =	ssyncset.done $0x0  }
0x29: {  	[sflag:s14] =	ssyncadd.s32 $0xFFFFFB00  }
0x2a: {  	[tilespmem:s16], [sflag:$0x1] =	stream.indirect.gather [hbm4b:s4+s15], $0x20, s3, s15, $0xb8;
	[tilespmem:$0x14A00] =	vst v63  }
0x2b: {  	_ =	swait.ge [sflag:s20], $0xA000  }
0x2c: {  	[sflag:s20] =	ssyncset.done $0x0  }
0x2d: {  	s31 =	sadd.s32 $0x0, s11;
	[sflag:s20] =	ssyncadd.s32 $0xFFFF6000  }
0x2e: {  	[hbm4b:s31+s3] =	stream.linear.scatter [tilespmem:s17], [sflag:$0x4], $0xA000, $0x38;
	[tilespmem:$0x14A00] =	vst v63  }
0x2f: {  	_ =	swait.ge [sflag:s21], $0xA000  }
0x30: {  	[sflag:s21] =	ssyncset.done $0x0  }
0x31: {  	[sflag:s21] =	ssyncadd.s32 $0xFFFF6000  }
0x32: {  	[tilespmem:s15], [sflag:$0x5] =	stream.linear.gather [hbm4b:s10+s3], $0x500, $0x38;
	[tilespmem:$0x14A00] =	vst v63  }
0x33: {  	_ =	swait.ge [sflag:s14], $0x500  }
0x34: {  	s24 =	sadd.s32 $0x140, s10;
	[sflag:s14] =	ssyncset.done $0x0  }
0x35: {  	s25 =	sadd.s32 $0xA00, s12;
	s23 =	simm.s32 $0x2800;
	[sflag:s14] =	ssyncadd.s32 $0xFFFFFB00  }
.LBB2_2:
0x36: {  	[tilespmem:s17], [sflag:$0x2] =	stream.indirect.gather [hbm4b:s4+s15], $0x20, s15, s15, $0xb8;
	[tilespmem:$0x14A00] =	vst v63  }
0x37: {  	s26 =	smov.u32 s23  }
0x38: {  	p0 =	sne.s32 s23, $0x14000;
	s23 =	sadd.s32 $0x2800, s23;
	_ =	swait.ge [sflag:s18], $0xA000  }
0x39: {  	[sflag:s18] =	ssyncset.done $0x0  }
0x3a: {  	s28 =	sadd.s32 s26, s13;
	[sflag:s18] =	ssyncadd.s32 $0xFFFF6000  }
0x3b: {  	[hbm4b:s28+s3] =	stream.linear.scatter [tilespmem:s16], [sflag:$0x3], $0xA000, $0x38;
	[tilespmem:$0x14A00] =	vst v63  }
0x3c: {  	_ =	swait.ge [sflag:s19], $0xA000  }
0x3d: {  	s28 =	sshrl.u32 s25, $0x3;
	[sflag:s19] =	ssyncset.done $0x0  }
0x3e: {  	s28 =	sadd.s32 s1, s28;
	[sflag:s19] =	ssyncadd.s32 $0xFFFF6000  }
0x3f: {  	[tilespmem:s3], [sflag:$0x5] =	stream.linear.gather [hbm4b:s28+s3], $0x500, $0x38;
	[tilespmem:$0x14A00] =	vst v63  }
0x40: {  	_ =	swait.ge [sflag:s14], $0x500  }
0x41: {  	[sflag:s14] =	ssyncset.done $0x0  }
0x42: {  	[sflag:s14] =	ssyncadd.s32 $0xFFFFFB00  }
0x43: {  	[tilespmem:s16], [sflag:$0x1] =	stream.indirect.gather [hbm4b:s4+s15], $0x20, s3, s15, $0xb8;
	[tilespmem:$0x14A00] =	vst v63  }
0x44: {  	_ =	swait.ge [sflag:s20], $0xA000  }
0x45: {  	[sflag:s20] =	ssyncset.done $0x0  }
0x46: {  	s26 =	sadd.s32 s26, s11;
	[sflag:s20] =	ssyncadd.s32 $0xFFFF6000  }
0x47: {  	[hbm4b:s26+s3] =	stream.linear.scatter [tilespmem:s17], [sflag:$0x4], $0xA000, $0x38;
	[tilespmem:$0x14A00] =	vst v63  }
0x48: {  	_ =	swait.ge [sflag:s21], $0xA000  }
0x49: {  	[sflag:s21] =	ssyncset.done $0x0  }
.Ltmp0:
0x4a: {  	[sflag:s21] =	ssyncadd.s32 $0xFFFF6000;
	(pc) =	sbr.rel @p0 .LBB2_2-.Ltmp0, $4  }
0x4b: {  	[tilespmem:s15], [sflag:$0x5] =	stream.linear.gather [hbm4b:s24+s3], $0x500, $0x38;
	[tilespmem:$0x14A00] =	vst v63  }
0x4c: {  	_ =	swait.ge [sflag:s14], $0x500  }
0x4d: {  	[sflag:s14] =	ssyncset.done $0x0  }
0x4e: {  	s25 =	sadd.s32 $0xA00, s25;
	s24 =	sadd.s32 $0x140, s24;
	[sflag:s14] =	ssyncadd.s32 $0xFFFFFB00  }
0x4f: {  	[tilespmem:s17], [sflag:$0x2] =	stream.indirect.gather [hbm4b:s4+s15], $0x20, s15, s15, $0xb8;
	[tilespmem:$0x14A00] =	vst v63  }
0x50: {  	_ =	swait.ge [sflag:s18], $0xA000  }
0x51: {  	[sflag:s18] =	ssyncset.done $0x0  }
0x52: {  	[sflag:s18] =	ssyncadd.s32 $0xFFFF6000  }
0x53: {  	[hbm4b:s7+s3] =	stream.linear.scatter [tilespmem:s16], [sflag:$0x3], $0xA000, $0x38;
	[tilespmem:$0x14A00] =	vst v63  }
0x54: {  	_ =	swait.ge [sflag:s19], $0xA000  }
0x55: {  	[sflag:s19] =	ssyncset.done $0x0  }
0x56: {  	[sflag:s19] =	ssyncadd.s32 $0xFFFF6000  }
0x57: {  	s22 =	sadd.s32 $0x1, s22;
	_ =	swait.ge [sflag:s20], $0xA000  }
0x58: {  	p0 =	sne.s32 s22, s9;
	[sflag:s20] =	ssyncset.done $0x0  }
.Ltmp1:
0x59: {  	[sflag:s20] =	ssyncadd.s32 $0xFFFF6000;
	(pc) =	sbr.rel @p0 .LBB2_1-.Ltmp1, $4  }
0x5a: {  	[hbm4b:s8+s3] =	stream.linear.scatter [tilespmem:s17], [sflag:$0x4], $0xA000, $0x38;
	[tilespmem:$0x14A00] =	vst v63  }
0x5b: {  	_ =	swait.ge [sflag:s21], $0xA000  }
0x5c: {  	[sflag:s21] =	ssyncset.done $0x0  }
0x5d: {  	[sflag:s21] =	ssyncadd.s32 $0xFFFF6000  }
0x5e: {  	_ =	sfence.sel $0x180000  }
0x5f: {  	[bflag:$0x0] =	sbarrier.arrive $0xFFFF  }
0x60: {  	p0 =	sne.s32 s2, $0x0;
	_ =	strace $0x90000047  }
0x61: {  	s0 =	sadd.s32 @!p0 $0x100000, s0;
	[bflag:$0x2] =	sbarrier.arrive $0xFFFF  }
0x62: {  	[sflag:s0] =	ssyncadd.tile.s32 @!p0 $0x1;
	_ =	shalt  }
.Lfunc_end2:
_tile_overlayer_lowered:
.L_overlay_start_2:
0x63: {  	(tag) =	ssettag $0x2  }
0x64: {  	s0 =	rddreg [dreg:$0x0];
	s2 =	stileid.u32  }
0x65: {  	s1 =	rddreg [dreg:$0x1];
	p0 =	sne.s32 s2, $0x0  }
0x66: {  	s3 =	rddreg [dreg:$0x2];
	[bflag:$0x3] =	sbarrier.arrive $0xFFFF;
	s2 =	simm.s32 @!p0 $0x1C05  }
0x67: {  	[timem:s3], [sflag:s2] =	dma.local @!p0 [hbm:s0], s1  }
0x68: {  	s0 =	simm.s32 @!p0 $0x5  }
0x69: {  	_ =	swait.ge @!p0 [sflag:s0], s1  }
0x6a: {  	s1 =	ssub.s32 @!p0 $0x0, s1;
	[sflag:s0] =	ssyncset.done @!p0 $0x0  }
0x6b: {  	[sflag:s0] =	ssyncadd.s32 @!p0 s1  }
0x6c: {  	[bflag:$0x3] =	sbarrier.arrive $0xFFFF  }
0x6d: {  	_ =	shalt  }

// kernel: sparse-core-data-format-call.cloned.1.call-start
scs
called_computation_lowered:
.L_overlay_start_0:
0x0: {  	s2 =	sld [smem:$0x3FD9]  }
0x1: {  	s3 =	sld [smem:$0x3FFE];
	_ =	sdelay $0x1  }
0x2: {  	s1 =	srdreg.scid  }
0x3: {  	s0 =	sand.u32 $0x1, s1  }
0x4: {  	s15 =	sshll.u32 s0, $0xA;
	s2 =	sadd.s32 s3, s2  }
0x5: {  	s2 =	sadd.s32 s2, s15  }
0x6: {  	[smem:$0x3FC5] =	sst s2  }
0x7: {  	_ = 	snop  }
0x8: {  	s2 =	sld [smem:$0x3FD0];
	_ =	sdelay $0x2  }
0x9: {  	s16 =	simm.s32 $0xA;
	s4 =	simm.s32 $0x10  }
0xa: {  	[smem:s4], [sflag:s16] =	dma.local [hbm:s2], $0x1  }
0xb: {  	_ =	swait.eq [sflag:s16], $0x1  }
0xc: {  	[sflag:s16] =	ssyncset.done $0x0  }
0xd: {  	[sflag:s16] =	ssyncadd.s32 $0xFFFFFFFF  }
0xe: {  	s17 =	sld [smem:$0x10];
	(tm) =	ssettm $0x1  }
0xf: {  	s18 =	sld [smem:$0x3FFB];
	_ =	sdelay $0x3  }
0x10: {  	_ =	strace s18  }
0x11: {  	s3 =	sld [smem:$0x3FFC];
	_ =	sdelay $0x3  }
0x12: {  	_ =	strace s3  }
0x13: {  	s3 =	sld [smem:$0x3FFD];
	_ =	sdelay $0x3  }
0x14: {  	_ =	strace s3  }
0x15: {  	_ =	strace $0x8FFFFFFF  }
0x16: {  	s19 =	sld [smem:$0x3FDB];
	_ =	sdelay $0x1  }
0x17: {  	s20 =	simm.s32 $_scs_section_size  }
0x18: {  	s5 =	simm.s32 $_size__tile_overlayer_lowered;
	s6 =	simm.s32 $_tile_overlayer_lowered  }
0x19: {  	s23 =	simm.s32 $0x1BFF;
	s22 =	sshll.u32 s6, $0x1;
	s3 =	sadd.s32 s20, s19  }
0x1a: {  	s7 =	simm.s32 $0x0;
	s21 =	sshll.u32 s5, $0x1;
	s5 =	sadd.s32 s22, s3  }
0x1b: {  	[timem:s7], [sflag:s23] =	dma.local [hbm:s5], s21  }
0x1c: {  	_ =	swait.ge [sflag:s23], s21  }
0x1d: {  	s4 =	ssub.s32 $0x0, s21;
	[sflag:s23] =	ssyncset.done $0x0  }
0x1e: {  	[sflag:s23] =	ssyncadd.s32 s4;
	_ =	sdelay $0x1  }
0x1f: {  	s24 =	simm.s32 $0x1B8B  }
0x20: {  	_ =	swait.ge [sflag:s24], $0x1  }
0x21: {  	[sflag:s24] =	ssyncset.done $0x0  }
0x22: {  	s26 =	simm.s32 $0x1B8E;
	s25 =	sld [smem:$0x3FFE];
	[sflag:s24] =	ssyncadd.s32 $0xFFFFFFFF  }
0x23: {  	s27 =	simm.s32 $execute0_lowered;
	[smem:$0x3FD2] =	sst s26  }
0x24: {  	s5 =	sshll.u32 s27, $0x1;
	_ =	strace $0x80000049;
	[dreg:$0x1] =	wrdreg $0xFFFFFFFF  }
0x25: {  	s28 =	simm.s32 $_size_execute0_lowered;
	s3 =	sadd.s32 s3, s5;
	[dreg:$0x0] =	wrdreg $0x0  }
0x26: {  	s5 =	sshll.u32 s28, $0x1;
	[dreg:$0x2] =	wrdreg s3  }
0x27: {  	[dreg:$0x3] =	wrdreg s5  }
0x28: {  	[dreg:$0x4] =	wrdreg $0xC0  }
0x29: {  	_ =	task [dreg:s7], $0x5FFFF  }
0x2a: {  	[dreg:$0x1] =	wrdreg $0xFFFFFFFF  }
0x2b: {  	[dreg:$0x0] =	wrdreg $0x60  }
0x2c: {  	[dreg:$0x2] =	wrdreg s25  }
0x2d: {  	[dreg:$0x3] =	wrdreg s17  }
0x2e: {  	[dreg:$0x4] =	wrdreg $0x9  }
0x2f: {  	_ =	task.clear_ibuf [dreg:s7], $0x5FFFF;
	_ =	strace $0x90000049  }
0x30: {  	s29 =	simm.s32 $0x9;
	_ =	strace $0x8000004B  }
0x31: {  	_ =	swait.ge [sflag:s29], $0x1  }
0x32: {  	[sflag:s29] =	ssyncadd.s32 $0xFFFFFFFF  }
0x33: {  	_ =	strace $0x9000004B  }
0x34: {  	_ =	sfence  }
0x35: {  	s30 =	sld [smem:$0x0];
	_ =	sdelay $0x2  }
0x36: {  	s31 =	sshll.u32 s1, $0xD;
	s1 =	sshrl.u32 s1, $0x2  }
0x37: {  	s3 =	sand.u32 $0x4000, s31;
	s1 =	sadd.s32 s1, s30  }
0x38: {  	s0 =	sor.u32 s3, s0;
	s1 =	sshll.u32 s1, $0x11  }
0x39: {  	s0 =	sor.u32 s1, s0  }
0x3a: {  	s0 =	sadd.s32 $0x8F2B, s0  }
0x3b: {  	[sflag:s0] =	ssyncadd.remote.s32 $0x1  }
0x3c: {  	_ =	sfence.sel $0xFFFF  }
0x3d: {  	[dreg:$0x0] =	wrdreg $0xFFFFFFFF;
	(pc) =	sbr.abs _section_cstart, $3  }
0x3e: {  	[dreg:$0x1] =	wrdreg $0xFFFFFFFF  }
0x3f: {  	_ =	task.clear_ibuf [dreg:s7], $0x2FFFF;
	_ =	strace $0x9FFFFFFF  }
0x40: {  	(tm) =	ssettm $0x7FFFFFFF  }
0x41: {  	_ =	shalt  }
tec
execute0_lowered:
.L_overlay_start_1:
0x0: {  	(tag) =	ssettag $0x1  }
0x1: {  	s0 =	srdreg.scid  }
0x2: {  	s1 =	sshll.u32 s0, $0x4  }
0x3: {  	s0 =	stileid.u32;
	s1 =	sand.u32 $0x10, s1  }
0x4: {  	s7 =	rddreg [dreg:$0x0];
	s1 =	sor.u32 s0, s1  }
0x5: {  	s4 =	simm.s32 $0x1;
	s8 =	simm.s32 $0x2;
	s2 =	sshll.u32 s1, $0x7  }
0x6: {  	s13 =	simm.s32 $0x0;
	s9 =	simm.s32 $0x20000;
	s1 =	ssub.s32 $0x4000, s2  }
0x7: {  	s14 =	simm.s32 $0x0;
	s11 =	simm.s32 $0x0;
	s3 =	sand.u32 $0xF80, s1  }
0x8: {  	s12 =	simm.s32 $0x0;
	s5 =	sshrl.u32 s1, $0xC;
	p0 =	sne.s32 s3, $0x0  }
.Ltmp0:
0x9: {  	s1 =	rddreg [dreg:$0x2];
	s4 =	simm.s32 @!p0 $0x0;
	(pc) =	sbr.rel .LBB1_1-.Ltmp0, $4  }
0xa: {  	s6 =	sadd.s32 $0xC00, s7;
	s3 =	rddreg [dreg:$0x1];
	s5 =	sadd.s32 s4, s5  }
0xb: {  	_ =	strace $0x8000004A;
	s4 =	simm.s32 $0x1;
	s5 =	smul.u32 $0x19, s5  }
0xc: {  	s7 =	sadd.s32 $0x40C00, s7;
	s10 =	smov.u32 s2;
	[sflag:s4] =	ssyncpa.u1 $0x0  }
0xd: {  	p0 =	por $0x0, $0x0;
	[sflag:s8] =	ssyncpa.u1 $0x0;
	s8 =	sadd.s32 $0x1, s5  }
.LBB1_7:
0xe: {  	s15 =	sadd.s32 $0x1000, s10  }
0xf: {  	s13 =	sadd.s32 $0x2, s11;
	s17 =	smov.u32 s11;
	p2 =	sgt.s32 s15, $0x3FFF  }
0x10: {  	s17 =	smov.u32 @p2 s13  }
0x11: {  	s15 =	smov.u32 @p2 s2;
	p2 =	sgt.s32 s17, $0x31  }
0x12: {  	s17 =	simm.s32 @p2 $0x0;
	p2 =	sne.s32 s12, s8  }
.Ltmp1:
0x13: {  	p1 =	slt.u32 s12, $0x2;
	(pc) =	sbr.rel @!p2 .LBB1_8-.Ltmp1, $4  }
0x14: {  	s16 =	simm.s32 @!p1 $0x2  }
0x15: {  	s14 =	smov.u32 s11;
	p0 =	por !p0, !p0;
	_ =	swait.ge @!p1 [sflag:s16], $0x2000  }
0x16: {  	s13 =	smov.u32 s10;
	[sflag:s16] =	ssyncset.done @!p1 $0x0;
	s10 =	smov.u32 s15  }
0x17: {  	s12 =	sadd.s32 $0x1, s12;
	[sflag:s16] =	ssyncadd.s32 @!p1 $0xFFFFE000;
	s11 =	smov.u32 s17  }
.LBB1_1:
0x18: {  	p1 =	sge.u32 s12, s5  }
0x19: {  	s15 =	sxor.u32 @!p1 $0xFFFFFFFF, s12;
	s16 =	sshll.u32 @!p1 s11, $0x12  }
0x1a: {  	s17 =	sshll.u32 @!p1 s10, $0x4;
	s19 =	simm.s32 @!p1 $0x20;
	s20 =	simm.s32 @!p1 $0x80  }
0x1b: {  	s15 =	sshll.u32 @!p1 s15, $0xD;
	s17 =	sand.u32 @!p1 $0x3FFF0, s17;
	s18 =	sadd.s32 @!p1 s6, s16  }
0x1c: {  	s16 =	sadd.s32 @!p1 s16, s7;
	s15 =	sand.u32 @!p1 $0x2000, s15;
	s18 =	sadd.s32 @!p1 s17, s18  }
0x1d: {  	[tilespmem:s15], [sflag:$0x1] =	stream.strided.gather @!p1 [hbm4b:s18+s19], $0x1000, s20, s19, $0x38;
	[tilespmem:$0x8080] =	vst v63  }
0x1e: {  	s31 =	sadd.s32 $0xFFFFFFFF, s12;
	s16 =	sadd.s32 @!p1 s17, s16;
	s15 =	sor.u32 @!p1 $0x1000, s15  }
0x1f: {  	[tilespmem:s15], [sflag:$0x1] =	stream.strided.gather @!p1 [hbm4b:s16+s19], $0x1000, s20, s19, $0x38;
	[tilespmem:$0x8080] =	vst v63  }
0x20: {  	p1 =	sge.u32 s31, s5  }
.Ltmp2:
0x21: {  	_ = 	snop;
	(pc) =	sbr.rel @p1 .LBB1_7-.Ltmp2, $1  }
0x22: {  	_ =	sdelay $0x3  }
0x23: {  	s15 =	simm.s32 $0x1;
	s17 =	sand.u32 $0x1, s12  }
0x24: {  	_ =	swait.ge [sflag:s4], $0x2000;
	s15 =	simm.s32 @!p0 $0x0;
	s17 =	smul.u32 $0x8100, s17  }
0x25: {  	p2 =	por $0x1, $0x1;
	[sflag:s4] =	ssyncset.done $0x0;
	s16 =	smul.u32 $0x8100, s15  }
0x26: {  	s18 =	sshll.u32 s15, $0xF;
	[sflag:s4] =	ssyncadd.s32 $0xFFFFE000;
	s30 =	sshrl.u32 s17, $0x2  }
0x27: {  	s31 =	sshrl.u32 s18, $0x2;
	s18 =	simm.s32 $0x0;
	s16 =	sshrl.u32 s16, $0x2  }
0x28: {  	s15 =	sor.u32 $0x4000, s30;
	s17 =	sadd.s32 $0x10, s31;
	s16 =	sor.u32 $0x4000, s16  }
.LBB1_3:
0x29: {  	s19 =	sshll.u32 s18, $0xC  }
0x2a: {  	s19 =	sand.u32 $0x3FFFF000, s19  }
0x2b: {  	s20 =	sadd.s32 s19, s17  }
0x2c: {  	s31 =	smul.u32 $0x4080, s18;
	v1 =	vld [tilespmem:s20+$0x0]  }
0x2d: {  	v0 =	vld [tilespmem:s20+$0xFFFFFFF0]  }
0x2e: {  	s18 =	sshra.s32 s31, $0x2  }
0x2f: {  	s18 =	sadd.s32 s18, s16  }
0x30: {  	s21 =	sadd.s32 $0x0, s18  }
0x31: {  	p1 =	por p2, p2;
	s19 =	simm.s32 $0x4;
	s20 =	sadd.s32 $0x20, s20;
	[tilespmem:s21+$0x810 ss:$0x81] =	vst.msk $0xffff, v1  }
.LBB1_4:
0x32: {  	v1 =	vld [tilespmem:s20+$0x0];
	p2 =	sne.s32 s19, $0x1FC;
	[tilespmem:s21+$0x0 ss:$0x81] =	vst.msk $0xffff, v0;
	s21 =	smov.u32 s19;
	s19 =	sadd.s32 $0x4, s19  }
.Ltmp3:
0x33: {  	v0 =	vld [tilespmem:s20+$0xFFFFFFF0];
	(pc) =	sbr.rel @p2 .LBB1_4-.Ltmp3, $4  }
0x34: {  	_ = 	snop  }
0x35: {  	s21 =	sshra.s32 s21, $0x2  }
0x36: {  	s21 =	sadd.s32 s21, s18  }
0x37: {  	s20 =	sadd.s32 $0x20, s20;
	[tilespmem:s21+$0x810 ss:$0x81] =	vst.msk $0xffff, v1  }
.Ltmp4:
0x38: {  	(pc) =	sbr.rel @p1 .LBB1_3-.Ltmp4, $2  }
0x39: {  	_ =	sdelay $0x2  }
0x3a: {  	[tilespmem:s21+$0x0 ss:$0x81] =	vst.msk $0xffff, v0;
	s18 =	simm.s32 $0x1;
	p2 =	por $0x0, $0x0  }
0x3b: {  	s16 =	sshll.u32 s13, $0x3;
	s17 =	sand.u32 $0x78, s13;
	s14 =	sshll.u32 s14, $0x10  }
.Ltmp5:
0x3c: {  	s30 =	sand.u32 $0xF800, s13;
	s16 =	sand.u32 $0x3C00, s16;
	(pc) =	sbr.rel .LBB1_7-.Ltmp5, $4  }
0x3d: {  	s31 =	sand.u32 $0x7, s13;
	s14 =	sadd.s32 s3, s14;
	s16 =	sor.u32 s17, s16  }
0x3e: {  	s13 =	sshll.u32 s31, $0x12;
	s14 =	sadd.s32 s30, s14;
	s16 =	sshrl.u32 s16, $0x3  }
0x3f: {  	s13 =	sor.u32 $0x400, s13;
	s14 =	sadd.s32 s16, s14  }
0x40: {  	[hbm4b:s14+s13] =	stream.strided.scatter [tilespmem:s15], [sflag:$0x2], $0x2000, s9, s13, $0x20;
	[tilespmem:$0x8080] =	vst v63  }
.LBB1_8:
0x41: {  	_ =	sfence.sel $0x180000  }
0x42: {  	s2 =	simm.s32 $0x1;
	[bflag:$0x0] =	sbarrier.arrive $0xFFFF  }
0x43: {  	s31 =	simm.s32 $0x2;
	[sflag:s2] =	ssyncpa.u1 $0x1  }
0x44: {  	[sflag:s31] =	ssyncpa.u1 $0x1  }
0x45: {  	p0 =	sne.s32 s0, $0x0;
	_ =	strace $0x9000004A  }
0x46: {  	s0 =	sadd.s32 @!p0 $0x100000, s1;
	[bflag:$0x2] =	sbarrier.arrive $0xFFFF  }
0x47: {  	[sflag:s0] =	ssyncadd.tile.s32 @!p0 $0x1;
	_ =	shalt  }
.Lfunc_end1:
_tile_overlayer_lowered:
.L_overlay_start_2:
0x48: {  	(tag) =	ssettag $0x2  }
0x49: {  	s0 =	rddreg [dreg:$0x0];
	s2 =	stileid.u32  }
0x4a: {  	s1 =	rddreg [dreg:$0x1];
	p0 =	sne.s32 s2, $0x0  }
0x4b: {  	s3 =	rddreg [dreg:$0x2];
	[bflag:$0x3] =	sbarrier.arrive $0xFFFF;
	s2 =	simm.s32 @!p0 $0x1C01  }
0x4c: {  	[timem:s3], [sflag:s2] =	dma.local @!p0 [hbm:s0], s1  }
0x4d: {  	s0 =	simm.s32 @!p0 $0x1  }
0x4e: {  	_ =	swait.ge @!p0 [sflag:s0], s1  }
0x4f: {  	s1 =	ssub.s32 @!p0 $0x0, s1;
	[sflag:s0] =	ssyncset.done @!p0 $0x0  }
0x50: {  	[sflag:s0] =	ssyncadd.s32 @!p0 s1  }
0x51: {  	[bflag:$0x3] =	sbarrier.arrive $0xFFFF  }
0x52: {  	_ =	shalt  }

</sc_bundles>
